<compile_context>
chip_gen: v7x
topology: tpu7x:2x2x1
jax: 0.10.2.dev20260603
libtpu: 0.0.44.dev20260713+nightly
codegen_flags: <defaults>
</compile_context>

<pallas_src>
import functools

import jax
import jax.numpy as jnp
from jax import lax
from jax.experimental import pallas as pl
from jax.experimental.pallas import tpu as pltpu
from jax.experimental.pallas import tpu_sc as plsc

B = 4096
F = 26
V = 100000
K = 64
H1 = 512
H2 = 256

NC = 2
NS = 16
NW = NC * NS
UNITS_PER_W = F * K // NW


def _sc_gather_t(w0t, idx_t):
    mesh = plsc.VectorSubcoreMesh(core_axis_name="c", subcore_axis_name="s")

    @functools.partial(
        pl.kernel,
        mesh=mesh,
        out_type=jax.ShapeDtypeStruct((F * K, B), jnp.float32),
        scratch_types=[
            pltpu.VMEM((1, B), jnp.int32),
            pltpu.VMEM((1, V), jnp.float32),
            pltpu.VMEM((1, B), jnp.float32),
            pltpu.SemaphoreType.DMA,
        ],
        compiler_params=pltpu.CompilerParams(needs_layout_passes=False),
    )
    def gather_k(w0_hbm, idx_hbm, out_hbm, idx_v, row_v, out_v, sem):
        wid = lax.axis_index("s") * NC + lax.axis_index("c")
        zero16 = jnp.zeros((16,), jnp.int32)

        def unit(u, carry):
            g = wid * UNITS_PER_W + u
            f = lax.div(g, K)
            k = lax.rem(g, K)

            @pl.when(jnp.logical_or(u == 0, k == 0))
            def _():
                pltpu.sync_copy(idx_hbm.at[pl.ds(f, 1)], idx_v)

            pltpu.async_copy(
                w0_hbm.at[f].at[pl.ds(k, 1)], row_v, sem).wait()

            def ext(t, c):
                for s in range(8):
                    o = (t * 8 + s) * 16
                    iv = idx_v[0, pl.ds(o, 16)]
                    vals = plsc.load_gather(row_v, [zero16, iv])
                    out_v[0, pl.ds(o, 16)] = vals
                return c

            lax.fori_loop(0, B // 128, ext, 0)
            pltpu.sync_copy(out_v, out_hbm.at[pl.ds(g, 1)])
            return carry

        lax.fori_loop(0, UNITS_PER_W, unit, 0)

    return gather_k(w0t, idx_t)


def _tc_mlp_t(xt, b0t, w1et, b1t, w2t, b2t, w3t, b3t):
    cB = 512

    def mlp_k(x_ref, b0_ref, w1_ref, b1_ref, w2_ref, b2_ref, w3_ref, b3_ref,
              o_ref):
        lt = jnp.tanh(x_ref[...] + b0_ref[...])
        h1 = jnp.maximum(
            jnp.dot(w1_ref[...], lt, preferred_element_type=jnp.float32)
            + b1_ref[...], 0.0)
        h2 = jnp.maximum(
            jnp.dot(w2_ref[...], h1, preferred_element_type=jnp.float32)
            + b2_ref[...], 0.0)
        o = jnp.dot(w3_ref[...], h2, preferred_element_type=jnp.float32)
        o_ref[...] = jax.nn.sigmoid(o + b3_ref[...])

    return pl.pallas_call(
        mlp_k,
        grid=(B // cB,),
        in_specs=[
            pl.BlockSpec((F * K, cB), lambda i: (0, i)),
            pl.BlockSpec((F * K, 1), lambda i: (0, 0)),
            pl.BlockSpec((H1, F * K), lambda i: (0, 0)),
            pl.BlockSpec((H1, 1), lambda i: (0, 0)),
            pl.BlockSpec((H2, H1), lambda i: (0, 0)),
            pl.BlockSpec((H2, 1), lambda i: (0, 0)),
            pl.BlockSpec((1, H2), lambda i: (0, 0)),
            pl.BlockSpec((1, 1), lambda i: (0, 0)),
        ],
        out_specs=pl.BlockSpec((1, cB), lambda i: (0, i)),
        out_shape=jax.ShapeDtypeStruct((1, B), jnp.float32),
    )(xt, b0t, w1et, b1t, w2t, b2t, w3t, b3t)


def kernel(indices, W0, b0, w1, k1, b1, w2, b2, w3, b3):
    w0t = jnp.transpose(W0, (0, 2, 1))
    idx_t = indices.astype(jnp.int32).T
    embt = _sc_gather_t(w0t, idx_t)
    w1et = (w1 + jnp.repeat(k1, K, axis=0)).T
    out = _tc_mlp_t(embt, b0.reshape(F * K, 1), w1et, b1.reshape(H1, 1),
                    w2.T, b2.reshape(H2, 1), w3.T, b3.reshape(1, 1))
    return out.reshape(-1)

# --- scband reference (transcript-rebuilt; emitter-appended) ---
"""Pipeline reference for scband-pnn1-12060268167849 (READ-ONLY COPY).

The authoritative reference and input builder live on the scoring server;
editing this copy changes nothing except your own understanding.
"""

import jax, jax.numpy as jnp
import numpy as np

B = 4096   # batch
F = 26     # num sparse fields (num_inputs)
V = 100000 # per-field vocab (layer_sizes[0][i])
K = 64     # factor_order (layer_sizes[1])
H1 = 512   # layer_sizes[2]
H2 = 256   # layer_sizes[3]


def setup_inputs(seed: int = 0) -> dict:
    key = jax.random.key(seed)
    ks = jax.random.split(key, 8)
    indices = jax.random.randint(ks[0], (B, F), 0, V)  # one active id per field (one-hot sparse X)
    # Stacked per-field embedding tables w0_i: [V, K] each -> W0: [F, V, K]
    W0 = jax.random.normal(ks[1], (F, V, K), dtype=jnp.float32) * 0.01
    b0 = jnp.zeros((F, K), dtype=jnp.float32)
    w1 = jax.random.normal(ks[2], (F * K, H1), dtype=jnp.float32) * 0.01
    k1 = jax.random.normal(ks[3], (F, H1), dtype=jnp.float32) * 0.01
    b1 = jnp.zeros((H1,), dtype=jnp.float32)
    w2 = jax.random.normal(ks[4], (H1, H2), dtype=jnp.float32) * 0.01
    b2 = jnp.zeros((H2,), dtype=jnp.float32)
    w3 = jax.random.normal(ks[5], (H2, 1), dtype=jnp.float32) * 0.01
    b3 = jnp.zeros((1,), dtype=jnp.float32)
    return {"indices": indices, "W0": W0, "b0": b0, "w1": w1, "k1": k1,
            "b1": b1, "w2": w2, "b2": b2, "w3": w3, "b3": b3}


def reference(indices, W0, b0, w1, k1, b1, w2, b2, w3, b3):
    # xw[i] = sparse_tensor_dense_matmul(X_i, w0_i)  == embedding lookup for one-hot X_i
    field_ids = jnp.arange(F)[None, :]               # [1, F]
    emb = W0[field_ids, indices]                     # gather -> [B, F, K]
    x = (emb + b0[None, :, :]).reshape(B, F * K)     # concat([xw_i + b0_i])
    l = jnp.tanh(x)                                  # activate(x, layer_acts[0]); dropout keep=1 (test mode)
    # product term p
    lp = l.reshape(B, F, K).transpose(0, 2, 1).reshape(-1, F)   # [B*K, F]
    p = (lp @ k1).reshape(B, K, H1).sum(axis=1)                  # [B, H1]
    l = jax.nn.relu(l @ w1 + b1[None, :] + p)                    # layer_acts[1]
    l = jax.nn.relu(l @ w2 + b2[None, :])                        # layer_acts[2]
    l = l @ w3 + b3[None, :]                                     # layer_acts[3] = 'none'
    l = l.reshape(-1)
    y_prob = jax.nn.sigmoid(l)
    return y_prob

if __name__ == "__main__":
    import jax
    _d = setup_inputs()
    print(jax.jit(kernel)(*tuple(_d.values())))

</pallas_src>

<mosaic_0001>
#map = affine_map<(d0, d1) -> (0, 0, 0)>
#map1 = affine_map<(d0, d1) -> (0, 0)>
module attributes {stable_mosaic.version = 14 : i64} {
  func.func @gather_k(%arg0: i32, %arg1: i32, %arg2: memref<26x64x100000xf32, #tpu.memory_space<hbm>>, %arg3: memref<26x4096xi32, #tpu.memory_space<hbm>>, %arg4: memref<1664x4096xf32, #tpu.memory_space<hbm>>, %arg5: memref<1x4096xi32, #tpu.memory_space<vmem>>, %arg6: memref<1x100000xf32, #tpu.memory_space<vmem>>, %arg7: memref<1x4096xf32, #tpu.memory_space<vmem>>, %arg8: memref<!tpu.dma_semaphore, #tpu.memory_space<semaphore_mem>>) attributes {dimension_semantics = [#tpu.dimension_semantics<core_parallel>, #tpu.dimension_semantics<subcore_parallel>], iteration_bounds = array<i64: 2, 16>, scalar_prefetch = 0 : i64, scratch_operands = 4 : i64, tpu.core_type = #tpu.core_type<sc_vector_subcore>, window_params = [{transform_indices = #map}, {transform_indices = #map1}, {transform_indices = #map1}]} {
    %mul3A = arith.constant 2 : i32
    %mul3A_0 = arith.muli %arg1, %mul3A : i32
    %add3A = arith.addi %mul3A_0, %arg0 : i32
    %broadcast_in_dim3A = arith.constant 0 : i32
    %broadcast_in_dim3A_1 = vector.broadcast %broadcast_in_dim3A : i32 to vector<16xi32>
    %scan3A = arith.constant 0 : i32
    %scan3A_2 = arith.constant 0 : i32
    %scan3A_3 = arith.constant 52 : i32
    %scan3A_4 = arith.addi %scan3A_2, %scan3A_3 : i32
    %scan3A_5 = arith.constant 1 : i32
    scf.for %scan3A_7 = %scan3A_2 to %scan3A_4 step %scan3A_5  : i32 {
      %mul3A_8 = arith.constant 52 : i32
      %mul3A_9 = arith.muli %add3A, %mul3A_8 : i32
      %add3A_10 = arith.addi %mul3A_9, %scan3A_7 : i32
      %div3A = arith.constant 64 : i32
      %div3A_11 = arith.divsi %add3A_10, %div3A : i32
      %rem3A = arith.constant 64 : i32
      %rem3A_12 = arith.remsi %add3A_10, %rem3A : i32
      %eq3A = arith.constant 0 : i32
      %eq3A_13 = arith.cmpi eq, %scan3A_7, %eq3A : i32
      %eq3A_14 = arith.constant 0 : i32
      %eq3A_15 = arith.cmpi eq, %rem3A_12, %eq3A_14 : i32
      %or3A = arith.ori %eq3A_13, %eq3A_15 : i1
      %convert_element_type3A = arith.extui %or3A : i1 to i32
      %cond3A = arith.constant 0 : i32
      %cond3A_16 = arith.cmpi ne, %convert_element_type3A, %cond3A : i32
      scf.if %cond3A_16 {
        "tpu.region"() ({
          %run_scoped3A = tpu.sem_alloc : memref<!tpu.dma_semaphore, #tpu.memory_space<semaphore_mem>>
          %dma_start3A_45 = arith.constant 0 : i32
          %dma_start3A_46 = tpu.memref_slice %arg3[%div3A_11, %dma_start3A_45] : memref<26x4096xi32, #tpu.memory_space<hbm>> -> memref<1x4096xi32, #tpu.memory_space<hbm>>
          %dma_start3A_47 = arith.constant 0 : i32
          %dma_start3A_48 = tpu.memref_slice %arg3[%div3A_11, %dma_start3A_47] : memref<26x4096xi32, #tpu.memory_space<hbm>> -> memref<1x4096xi32, #tpu.memory_space<hbm>>
          tpu.enqueue_dma source(%dma_start3A_48 : memref<1x4096xi32, #tpu.memory_space<hbm>>) target(%arg5 : memref<1x4096xi32, #tpu.memory_space<vmem>>) target_semaphore(%run_scoped3A : memref<!tpu.dma_semaphore, #tpu.memory_space<semaphore_mem>>)
          %dma_wait3A_49 = arith.constant 0 : i32
          %dma_wait3A_50 = tpu.memref_slice %arg3[%div3A_11, %dma_wait3A_49] : memref<26x4096xi32, #tpu.memory_space<hbm>> -> memref<1x4096xi32, #tpu.memory_space<hbm>>
          %dma_wait3A_51 = arith.constant 0 : i32
          %dma_wait3A_52 = tpu.memref_slice %arg3[%div3A_11, %dma_wait3A_51] : memref<26x4096xi32, #tpu.memory_space<hbm>> -> memref<1x4096xi32, #tpu.memory_space<hbm>>
          tpu.wait_dma2 semaphore(%run_scoped3A : memref<!tpu.dma_semaphore, #tpu.memory_space<semaphore_mem>>) src(%dma_wait3A_52 : memref<1x4096xi32, #tpu.memory_space<hbm>>) dst(%arg5 : memref<1x4096xi32, #tpu.memory_space<vmem>>)
          tpu.yield
        }) : () -> ()
      } else {
      }
      %dma_start3A = arith.constant 0 : i32
      %dma_start3A_17 = arith.constant 0 : i32
      %dma_start3A_18 = tpu.memref_slice %arg2[%div3A_11, %dma_start3A, %dma_start3A_17] : memref<26x64x100000xf32, #tpu.memory_space<hbm>> -> memref<1x64x100000xf32, #tpu.memory_space<hbm>>
      %dma_start3A_19 = tpu.memref_squeeze %dma_start3A_18 : memref<1x64x100000xf32, #tpu.memory_space<hbm>> -> memref<64x100000xf32, #tpu.memory_space<hbm>>
      %dma_start3A_20 = arith.constant 0 : i32
      %dma_start3A_21 = tpu.memref_slice %dma_start3A_19[%rem3A_12, %dma_start3A_20] : memref<64x100000xf32, #tpu.memory_space<hbm>> -> memref<1x100000xf32, #tpu.memory_space<hbm>>
      %dma_start3A_22 = arith.constant 0 : i32
      %dma_start3A_23 = arith.constant 0 : i32
      %dma_start3A_24 = tpu.memref_slice %arg2[%div3A_11, %dma_start3A_22, %dma_start3A_23] : memref<26x64x100000xf32, #tpu.memory_space<hbm>> -> memref<1x64x100000xf32, #tpu.memory_space<hbm>>
      %dma_start3A_25 = tpu.memref_squeeze %dma_start3A_24 : memref<1x64x100000xf32, #tpu.memory_space<hbm>> -> memref<64x100000xf32, #tpu.memory_space<hbm>>
      %dma_start3A_26 = arith.constant 0 : i32
      %dma_start3A_27 = tpu.memref_slice %dma_start3A_25[%rem3A_12, %dma_start3A_26] : memref<64x100000xf32, #tpu.memory_space<hbm>> -> memref<1x100000xf32, #tpu.memory_space<hbm>>
      tpu.enqueue_dma source(%dma_start3A_27 : memref<1x100000xf32, #tpu.memory_space<hbm>>) target(%arg6 : memref<1x100000xf32, #tpu.memory_space<vmem>>) target_semaphore(%arg8 : memref<!tpu.dma_semaphore, #tpu.memory_space<semaphore_mem>>)
      %dma_wait3A = arith.constant 0 : i32
      %dma_wait3A_28 = arith.constant 0 : i32
      %dma_wait3A_29 = tpu.memref_slice %arg2[%div3A_11, %dma_wait3A, %dma_wait3A_28] : memref<26x64x100000xf32, #tpu.memory_space<hbm>> -> memref<1x64x100000xf32, #tpu.memory_space<hbm>>
      %dma_wait3A_30 = tpu.memref_squeeze %dma_wait3A_29 : memref<1x64x100000xf32, #tpu.memory_space<hbm>> -> memref<64x100000xf32, #tpu.memory_space<hbm>>
      %dma_wait3A_31 = arith.constant 0 : i32
      %dma_wait3A_32 = tpu.memref_slice %dma_wait3A_30[%rem3A_12, %dma_wait3A_31] : memref<64x100000xf32, #tpu.memory_space<hbm>> -> memref<1x100000xf32, #tpu.memory_space<hbm>>
      %dma_wait3A_33 = arith.constant 0 : i32
      %dma_wait3A_34 = arith.constant 0 : i32
      %dma_wait3A_35 = tpu.memref_slice %arg2[%div3A_11, %dma_wait3A_33, %dma_wait3A_34] : memref<26x64x100000xf32, #tpu.memory_space<hbm>> -> memref<1x64x100000xf32, #tpu.memory_space<hbm>>
      %dma_wait3A_36 = tpu.memref_squeeze %dma_wait3A_35 : memref<1x64x100000xf32, #tpu.memory_space<hbm>> -> memref<64x100000xf32, #tpu.memory_space<hbm>>
      %dma_wait3A_37 = arith.constant 0 : i32
      %dma_wait3A_38 = tpu.memref_slice %dma_wait3A_36[%rem3A_12, %dma_wait3A_37] : memref<64x100000xf32, #tpu.memory_space<hbm>> -> memref<1x100000xf32, #tpu.memory_space<hbm>>
      tpu.wait_dma2 semaphore(%arg8 : memref<!tpu.dma_semaphore, #tpu.memory_space<semaphore_mem>>) src(%dma_wait3A_38 : memref<1x100000xf32, #tpu.memory_space<hbm>>) dst(%arg6 : memref<1x100000xf32, #tpu.memory_space<vmem>>)
      %scan3A_39 = arith.constant 0 : i32
      %scan3A_40 = arith.constant 0 : i32
      %scan3A_41 = arith.constant 32 : i32
      %scan3A_42 = arith.addi %scan3A_40, %scan3A_41 : i32
      %scan3A_43 = arith.constant 1 : i32
      scf.for %scan3A_45 = %scan3A_40 to %scan3A_42 step %scan3A_43  : i32 {
        %mul3A_46 = arith.constant 8 : i32
        %mul3A_47 = arith.muli %scan3A_45, %mul3A_46 : i32
        %add3A_48 = arith.constant 0 : i32
        %add3A_49 = arith.addi %mul3A_47, %add3A_48 : i32
        %mul3A_50 = arith.constant 16 : i32
        %mul3A_51 = arith.muli %add3A_49, %mul3A_50 : i32
        %get3A = arith.constant 0 : i32
        %get3A_52 = arith.index_cast %get3A : i32 to index
        %get3A_53 = arith.index_cast %mul3A_51 : i32 to index
        %get3A_54 = tpu.vector_load %arg5[%get3A_52, %get3A_53] {strides = array<i32>} : memref<1x4096xi32, #tpu.memory_space<vmem>>, vector<16xi32>,
        %gather3A = tpu.vector_load_idx %arg6[%broadcast_in_dim3A_1, %get3A_54] : memref<1x100000xf32, #tpu.memory_space<vmem>>[vector<16xi32>, vector<16xi32>], vector<16xf32>,
        %swap3A = arith.constant 0 : i32
        %swap3A_55 = arith.index_cast %swap3A : i32 to index
        %swap3A_56 = arith.index_cast %mul3A_51 : i32 to index
        %swap3A_57 = tpu.vector_load %arg7[%swap3A_55, %swap3A_56] {strides = array<i32>} : memref<1x4096xf32, #tpu.memory_space<vmem>>, vector<16xf32>,
        tpu.vector_store %arg7[%swap3A_55, %swap3A_56], %gather3A {strides = array<i32>} : memref<1x4096xf32, #tpu.memory_space<vmem>>, vector<16xf32>,
        %mul3A_58 = arith.constant 8 : i32
        %mul3A_59 = arith.muli %scan3A_45, %mul3A_58 : i32
        %add3A_60 = arith.constant 1 : i32
        %add3A_61 = arith.addi %mul3A_59, %add3A_60 : i32
        %mul3A_62 = arith.constant 16 : i32
        %mul3A_63 = arith.muli %add3A_61, %mul3A_62 : i32
        %get3A_64 = arith.constant 0 : i32
        %get3A_65 = arith.index_cast %get3A_64 : i32 to index
        %get3A_66 = arith.index_cast %mul3A_63 : i32 to index
        %get3A_67 = tpu.vector_load %arg5[%get3A_65, %get3A_66] {strides = array<i32>} : memref<1x4096xi32, #tpu.memory_space<vmem>>, vector<16xi32>,
        %gather3A_68 = tpu.vector_load_idx %arg6[%broadcast_in_dim3A_1, %get3A_67] : memref<1x100000xf32, #tpu.memory_space<vmem>>[vector<16xi32>, vector<16xi32>], vector<16xf32>,
        %swap3A_69 = arith.constant 0 : i32
        %swap3A_70 = arith.index_cast %swap3A_69 : i32 to index
        %swap3A_71 = arith.index_cast %mul3A_63 : i32 to index
        %swap3A_72 = tpu.vector_load %arg7[%swap3A_70, %swap3A_71] {strides = array<i32>} : memref<1x4096xf32, #tpu.memory_space<vmem>>, vector<16xf32>,
        tpu.vector_store %arg7[%swap3A_70, %swap3A_71], %gather3A_68 {strides = array<i32>} : memref<1x4096xf32, #tpu.memory_space<vmem>>, vector<16xf32>,
        %mul3A_73 = arith.constant 8 : i32
        %mul3A_74 = arith.muli %scan3A_45, %mul3A_73 : i32
        %add3A_75 = arith.constant 2 : i32
        %add3A_76 = arith.addi %mul3A_74, %add3A_75 : i32
        %mul3A_77 = arith.constant 16 : i32
        %mul3A_78 = arith.muli %add3A_76, %mul3A_77 : i32
        %get3A_79 = arith.constant 0 : i32
        %get3A_80 = arith.index_cast %get3A_79 : i32 to index
        %get3A_81 = arith.index_cast %mul3A_78 : i32 to index
        %get3A_82 = tpu.vector_load %arg5[%get3A_80, %get3A_81] {strides = array<i32>} : memref<1x4096xi32, #tpu.memory_space<vmem>>, vector<16xi32>,
        %gather3A_83 = tpu.vector_load_idx %arg6[%broadcast_in_dim3A_1, %get3A_82] : memref<1x100000xf32, #tpu.memory_space<vmem>>[vector<16xi32>, vector<16xi32>], vector<16xf32>,
        %swap3A_84 = arith.constant 0 : i32
        %swap3A_85 = arith.index_cast %swap3A_84 : i32 to index
        %swap3A_86 = arith.index_cast %mul3A_78 : i32 to index
        %swap3A_87 = tpu.vector_load %arg7[%swap3A_85, %swap3A_86] {strides = array<i32>} : memref<1x4096xf32, #tpu.memory_space<vmem>>, vector<16xf32>,
        tpu.vector_store %arg7[%swap3A_85, %swap3A_86], %gather3A_83 {strides = array<i32>} : memref<1x4096xf32, #tpu.memory_space<vmem>>, vector<16xf32>,
        %mul3A_88 = arith.constant 8 : i32
        %mul3A_89 = arith.muli %scan3A_45, %mul3A_88 : i32
        %add3A_90 = arith.constant 3 : i32
        %add3A_91 = arith.addi %mul3A_89, %add3A_90 : i32
        %mul3A_92 = arith.constant 16 : i32
        %mul3A_93 = arith.muli %add3A_91, %mul3A_92 : i32
        %get3A_94 = arith.constant 0 : i32
        %get3A_95 = arith.index_cast %get3A_94 : i32 to index
        %get3A_96 = arith.index_cast %mul3A_93 : i32 to index
        %get3A_97 = tpu.vector_load %arg5[%get3A_95, %get3A_96] {strides = array<i32>} : memref<1x4096xi32, #tpu.memory_space<vmem>>, vector<16xi32>,
        %gather3A_98 = tpu.vector_load_idx %arg6[%broadcast_in_dim3A_1, %get3A_97] : memref<1x100000xf32, #tpu.memory_space<vmem>>[vector<16xi32>, vector<16xi32>], vector<16xf32>,
        %swap3A_99 = arith.constant 0 : i32
        %swap3A_100 = arith.index_cast %swap3A_99 : i32 to index
        %swap3A_101 = arith.index_cast %mul3A_93 : i32 to index
        %swap3A_102 = tpu.vector_load %arg7[%swap3A_100, %swap3A_101] {strides = array<i32>} : memref<1x4096xf32, #tpu.memory_space<vmem>>, vector<16xf32>,
        tpu.vector_store %arg7[%swap3A_100, %swap3A_101], %gather3A_98 {strides = array<i32>} : memref<1x4096xf32, #tpu.memory_space<vmem>>, vector<16xf32>,
        %mul3A_103 = arith.constant 8 : i32
        %mul3A_104 = arith.muli %scan3A_45, %mul3A_103 : i32
        %add3A_105 = arith.constant 4 : i32
        %add3A_106 = arith.addi %mul3A_104, %add3A_105 : i32
        %mul3A_107 = arith.constant 16 : i32
        %mul3A_108 = arith.muli %add3A_106, %mul3A_107 : i32
        %get3A_109 = arith.constant 0 : i32
        %get3A_110 = arith.index_cast %get3A_109 : i32 to index
        %get3A_111 = arith.index_cast %mul3A_108 : i32 to index
        %get3A_112 = tpu.vector_load %arg5[%get3A_110, %get3A_111] {strides = array<i32>} : memref<1x4096xi32, #tpu.memory_space<vmem>>, vector<16xi32>,
        %gather3A_113 = tpu.vector_load_idx %arg6[%broadcast_in_dim3A_1, %get3A_112] : memref<1x100000xf32, #tpu.memory_space<vmem>>[vector<16xi32>, vector<16xi32>], vector<16xf32>,
        %swap3A_114 = arith.constant 0 : i32
        %swap3A_115 = arith.index_cast %swap3A_114 : i32 to index
        %swap3A_116 = arith.index_cast %mul3A_108 : i32 to index
        %swap3A_117 = tpu.vector_load %arg7[%swap3A_115, %swap3A_116] {strides = array<i32>} : memref<1x4096xf32, #tpu.memory_space<vmem>>, vector<16xf32>,
        tpu.vector_store %arg7[%swap3A_115, %swap3A_116], %gather3A_113 {strides = array<i32>} : memref<1x4096xf32, #tpu.memory_space<vmem>>, vector<16xf32>,
        %mul3A_118 = arith.constant 8 : i32
        %mul3A_119 = arith.muli %scan3A_45, %mul3A_118 : i32
        %add3A_120 = arith.constant 5 : i32
        %add3A_121 = arith.addi %mul3A_119, %add3A_120 : i32
        %mul3A_122 = arith.constant 16 : i32
        %mul3A_123 = arith.muli %add3A_121, %mul3A_122 : i32
        %get3A_124 = arith.constant 0 : i32
        %get3A_125 = arith.index_cast %get3A_124 : i32 to index
        %get3A_126 = arith.index_cast %mul3A_123 : i32 to index
        %get3A_127 = tpu.vector_load %arg5[%get3A_125, %get3A_126] {strides = array<i32>} : memref<1x4096xi32, #tpu.memory_space<vmem>>, vector<16xi32>,
        %gather3A_128 = tpu.vector_load_idx %arg6[%broadcast_in_dim3A_1, %get3A_127] : memref<1x100000xf32, #tpu.memory_space<vmem>>[vector<16xi32>, vector<16xi32>], vector<16xf32>,
        %swap3A_129 = arith.constant 0 : i32
        %swap3A_130 = arith.index_cast %swap3A_129 : i32 to index
        %swap3A_131 = arith.index_cast %mul3A_123 : i32 to index
        %swap3A_132 = tpu.vector_load %arg7[%swap3A_130, %swap3A_131] {strides = array<i32>} : memref<1x4096xf32, #tpu.memory_space<vmem>>, vector<16xf32>,
        tpu.vector_store %arg7[%swap3A_130, %swap3A_131], %gather3A_128 {strides = array<i32>} : memref<1x4096xf32, #tpu.memory_space<vmem>>, vector<16xf32>,
        %mul3A_133 = arith.constant 8 : i32
        %mul3A_134 = arith.muli %scan3A_45, %mul3A_133 : i32
        %add3A_135 = arith.constant 6 : i32
        %add3A_136 = arith.addi %mul3A_134, %add3A_135 : i32
        %mul3A_137 = arith.constant 16 : i32
        %mul3A_138 = arith.muli %add3A_136, %mul3A_137 : i32
        %get3A_139 = arith.constant 0 : i32
        %get3A_140 = arith.index_cast %get3A_139 : i32 to index
        %get3A_141 = arith.index_cast %mul3A_138 : i32 to index
        %get3A_142 = tpu.vector_load %arg5[%get3A_140, %get3A_141] {strides = array<i32>} : memref<1x4096xi32, #tpu.memory_space<vmem>>, vector<16xi32>,
        %gather3A_143 = tpu.vector_load_idx %arg6[%broadcast_in_dim3A_1, %get3A_142] : memref<1x100000xf32, #tpu.memory_space<vmem>>[vector<16xi32>, vector<16xi32>], vector<16xf32>,
        %swap3A_144 = arith.constant 0 : i32
        %swap3A_145 = arith.index_cast %swap3A_144 : i32 to index
        %swap3A_146 = arith.index_cast %mul3A_138 : i32 to index
        %swap3A_147 = tpu.vector_load %arg7[%swap3A_145, %swap3A_146] {strides = array<i32>} : memref<1x4096xf32, #tpu.memory_space<vmem>>, vector<16xf32>,
        tpu.vector_store %arg7[%swap3A_145, %swap3A_146], %gather3A_143 {strides = array<i32>} : memref<1x4096xf32, #tpu.memory_space<vmem>>, vector<16xf32>,
        %mul3A_148 = arith.constant 8 : i32
        %mul3A_149 = arith.muli %scan3A_45, %mul3A_148 : i32
        %add3A_150 = arith.constant 7 : i32
        %add3A_151 = arith.addi %mul3A_149, %add3A_150 : i32
        %mul3A_152 = arith.constant 16 : i32
        %mul3A_153 = arith.muli %add3A_151, %mul3A_152 : i32
        %get3A_154 = arith.constant 0 : i32
        %get3A_155 = arith.index_cast %get3A_154 : i32 to index
        %get3A_156 = arith.index_cast %mul3A_153 : i32 to index
        %get3A_157 = tpu.vector_load %arg5[%get3A_155, %get3A_156] {strides = array<i32>} : memref<1x4096xi32, #tpu.memory_space<vmem>>, vector<16xi32>,
        %gather3A_158 = tpu.vector_load_idx %arg6[%broadcast_in_dim3A_1, %get3A_157] : memref<1x100000xf32, #tpu.memory_space<vmem>>[vector<16xi32>, vector<16xi32>], vector<16xf32>,
        %swap3A_159 = arith.constant 0 : i32
        %swap3A_160 = arith.index_cast %swap3A_159 : i32 to index
        %swap3A_161 = arith.index_cast %mul3A_153 : i32 to index
        %swap3A_162 = tpu.vector_load %arg7[%swap3A_160, %swap3A_161] {strides = array<i32>} : memref<1x4096xf32, #tpu.memory_space<vmem>>, vector<16xf32>,
        tpu.vector_store %arg7[%swap3A_160, %swap3A_161], %gather3A_158 {strides = array<i32>} : memref<1x4096xf32, #tpu.memory_space<vmem>>, vector<16xf32>,
      }
      %scan3A_44 = arith.constant 32 : i32
      "tpu.region"() ({
        %run_scoped3A = tpu.sem_alloc : memref<!tpu.dma_semaphore, #tpu.memory_space<semaphore_mem>>
        %dma_start3A_45 = arith.constant 0 : i32
        %dma_start3A_46 = tpu.memref_slice %arg4[%add3A_10, %dma_start3A_45] : memref<1664x4096xf32, #tpu.memory_space<hbm>> -> memref<1x4096xf32, #tpu.memory_space<hbm>>
        %dma_start3A_47 = arith.constant 0 : i32
        %dma_start3A_48 = tpu.memref_slice %arg4[%add3A_10, %dma_start3A_47] : memref<1664x4096xf32, #tpu.memory_space<hbm>> -> memref<1x4096xf32, #tpu.memory_space<hbm>>
        tpu.enqueue_dma source(%arg7 : memref<1x4096xf32, #tpu.memory_space<vmem>>) target(%dma_start3A_48 : memref<1x4096xf32, #tpu.memory_space<hbm>>) target_semaphore(%run_scoped3A : memref<!tpu.dma_semaphore, #tpu.memory_space<semaphore_mem>>)
        %dma_wait3A_49 = arith.constant 0 : i32
        %dma_wait3A_50 = tpu.memref_slice %arg4[%add3A_10, %dma_wait3A_49] : memref<1664x4096xf32, #tpu.memory_space<hbm>> -> memref<1x4096xf32, #tpu.memory_space<hbm>>
        %dma_wait3A_51 = arith.constant 0 : i32
        %dma_wait3A_52 = tpu.memref_slice %arg4[%add3A_10, %dma_wait3A_51] : memref<1664x4096xf32, #tpu.memory_space<hbm>> -> memref<1x4096xf32, #tpu.memory_space<hbm>>
        tpu.wait_dma2 semaphore(%run_scoped3A : memref<!tpu.dma_semaphore, #tpu.memory_space<semaphore_mem>>) src(%arg7 : memref<1x4096xf32, #tpu.memory_space<vmem>>) dst(%dma_wait3A_52 : memref<1x4096xf32, #tpu.memory_space<hbm>>)
        tpu.yield
      }) : () -> ()
    }
    %scan3A_6 = arith.constant 52 : i32
    return
  }
}

module attributes {stable_mosaic.version = 14 : i64} {
  func.func @mlp_k(%arg0: i32, %arg1: memref<1664x512xf32, #tpu.memory_space<vmem>>, %arg2: memref<1664x1xf32, #tpu.memory_space<vmem>>, %arg3: memref<512x1664xf32, #tpu.memory_space<vmem>>, %arg4: memref<512x1xf32, #tpu.memory_space<vmem>>, %arg5: memref<256x512xf32, #tpu.memory_space<vmem>>, %arg6: memref<256x1xf32, #tpu.memory_space<vmem>>, %arg7: memref<1x256xf32, #tpu.memory_space<vmem>>, %arg8: memref<1x1xf32, #tpu.memory_space<vmem>>, %arg9: memref<1x512xf32, #tpu.memory_space<vmem>>) attributes {dimension_semantics = [#tpu.dimension_semantics<arbitrary>], iteration_bounds = array<i64: 8>, scalar_prefetch = 0 : i64, scratch_operands = 0 : i64, tpu.core_type = #tpu.core_type<tc>, window_params = [{transform_indices = @transform_0, window_bounds = array<i64: 1664, 512>}, {pipeline_mode = #tpu.pipeline_mode<synchronous>, transform_indices = @transform_1, window_bounds = array<i64: 1664, 1>}, {pipeline_mode = #tpu.pipeline_mode<synchronous>, transform_indices = @transform_2, window_bounds = array<i64: 512, 1664>}, {pipeline_mode = #tpu.pipeline_mode<synchronous>, transform_indices = @transform_3, window_bounds = array<i64: 512, 1>}, {pipeline_mode = #tpu.pipeline_mode<synchronous>, transform_indices = @transform_4, window_bounds = array<i64: 256, 512>}, {pipeline_mode = #tpu.pipeline_mode<synchronous>, transform_indices = @transform_5, window_bounds = array<i64: 256, 1>}, {pipeline_mode = #tpu.pipeline_mode<synchronous>, transform_indices = @transform_6, window_bounds = array<i64: 1, 256>}, {pipeline_mode = #tpu.pipeline_mode<synchronous>, transform_indices = @transform_7, window_bounds = array<i64: 1, 1>}, {transform_indices = @transform_8, window_bounds = array<i64: 1, 512>}]} {
    %get3A = arith.constant 0 : index
    %get3A_0 = arith.constant 0 : index
    %get3A_1 = vector.load %arg1[%get3A, %get3A_0] : memref<1664x512xf32, #tpu.memory_space<vmem>>, vector<1664x512xf32>
    %get3A_2 = arith.constant 0 : index
    %get3A_3 = arith.constant 0 : index
    %get3A_4 = vector.load %arg2[%get3A_2, %get3A_3] : memref<1664x1xf32, #tpu.memory_space<vmem>>, vector<1664x1xf32>
    %add3A = vector.broadcast %get3A_4 : vector<1664x1xf32> to vector<1664x512xf32>
    %add3A_5 = arith.addf %get3A_1, %add3A : vector<1664x512xf32>
    %tanh3A = math.tanh %add3A_5 : vector<1664x512xf32>
    %get3A_6 = arith.constant 0 : index
    %get3A_7 = arith.constant 0 : index
    %get3A_8 = vector.load %arg3[%get3A_6, %get3A_7] : memref<512x1664xf32, #tpu.memory_space<vmem>>, vector<512x1664xf32>
    %dot_general3A = arith.constant dense<0.000000e+00> : vector<512x512xf32>
    %dot_general3A_9 = tpu.matmul %get3A_8, %tanh3A, %dot_general3A {dimension_numbers = #tpu.dot_dimension_numbers<[1], [0], [0], [1], [0, 0, 1, 1], [], []>, transpose_lhs_hint = false} : vector<512x1664xf32>, vector<1664x512xf32>, vector<512x512xf32> -> vector<512x512xf32>
    %get3A_10 = arith.constant 0 : index
    %get3A_11 = arith.constant 0 : index
    %get3A_12 = vector.load %arg4[%get3A_10, %get3A_11] : memref<512x1xf32, #tpu.memory_space<vmem>>, vector<512x1xf32>
    %add3A_13 = vector.broadcast %get3A_12 : vector<512x1xf32> to vector<512x512xf32>
    %add3A_14 = arith.addf %dot_general3A_9, %add3A_13 : vector<512x512xf32>
    %max3A = arith.constant 0.000000e+00 : f32
    %max3A_15 = vector.broadcast %max3A : f32 to vector<512x512xf32>
    %max3A_16 = arith.maximumf %add3A_14, %max3A_15 : vector<512x512xf32>
    %get3A_17 = arith.constant 0 : index
    %get3A_18 = arith.constant 0 : index
    %get3A_19 = vector.load %arg5[%get3A_17, %get3A_18] : memref<256x512xf32, #tpu.memory_space<vmem>>, vector<256x512xf32>
    %dot_general3A_20 = arith.constant dense<0.000000e+00> : vector<256x512xf32>
    %dot_general3A_21 = tpu.matmul %get3A_19, %max3A_16, %dot_general3A_20 {dimension_numbers = #tpu.dot_dimension_numbers<[1], [0], [0], [1], [0, 0, 1, 1], [], []>, transpose_lhs_hint = false} : vector<256x512xf32>, vector<512x512xf32>, vector<256x512xf32> -> vector<256x512xf32>
    %get3A_22 = arith.constant 0 : index
    %get3A_23 = arith.constant 0 : index
    %get3A_24 = vector.load %arg6[%get3A_22, %get3A_23] : memref<256x1xf32, #tpu.memory_space<vmem>>, vector<256x1xf32>
    %add3A_25 = vector.broadcast %get3A_24 : vector<256x1xf32> to vector<256x512xf32>
    %add3A_26 = arith.addf %dot_general3A_21, %add3A_25 : vector<256x512xf32>
    %max3A_27 = arith.constant 0.000000e+00 : f32
    %max3A_28 = vector.broadcast %max3A_27 : f32 to vector<256x512xf32>
    %max3A_29 = arith.maximumf %add3A_26, %max3A_28 : vector<256x512xf32>
    %get3A_30 = arith.constant 0 : index
    %get3A_31 = arith.constant 0 : index
    %get3A_32 = vector.load %arg7[%get3A_30, %get3A_31] : memref<1x256xf32, #tpu.memory_space<vmem>>, vector<1x256xf32>
    %dot_general3A_33 = arith.constant dense<0.000000e+00> : vector<1x512xf32>
    %dot_general3A_34 = tpu.matmul %get3A_32, %max3A_29, %dot_general3A_33 {dimension_numbers = #tpu.dot_dimension_numbers<[1], [0], [0], [1], [0, 0, 1, 1], [], []>, transpose_lhs_hint = false} : vector<1x256xf32>, vector<256x512xf32>, vector<1x512xf32> -> vector<1x512xf32>
    %get3A_35 = arith.constant 0 : index
    %get3A_36 = arith.constant 0 : index
    %get3A_37 = vector.load %arg8[%get3A_35, %get3A_36] : memref<1x1xf32, #tpu.memory_space<vmem>>, vector<1x1xf32>
    %add3A_38 = vector.broadcast %get3A_37 : vector<1x1xf32> to vector<1x512xf32>
    %add3A_39 = arith.addf %dot_general3A_34, %add3A_38 : vector<1x512xf32>
    %logistic3A = arith.negf %add3A_39 : vector<1x512xf32>
    %logistic3A_40 = math.exp %logistic3A : vector<1x512xf32>
    %logistic3A_41 = arith.constant 1.000000e+00 : f32
    %logistic3A_42 = vector.broadcast %logistic3A_41 : f32 to vector<1x512xf32>
    %logistic3A_43 = arith.addf %logistic3A_42, %logistic3A_40 : vector<1x512xf32>
    %logistic3A_44 = arith.divf %logistic3A_42, %logistic3A_43 : vector<1x512xf32>
    %swap3A = arith.constant 0 : index
    %swap3A_45 = arith.constant 0 : index
    %swap3A_46 = vector.load %arg9[%swap3A, %swap3A_45] : memref<1x512xf32, #tpu.memory_space<vmem>>, vector<1x512xf32>
    tpu.vector_store %arg9[%swap3A, %swap3A_45], %logistic3A_44 {strides = array<i32>} : memref<1x512xf32, #tpu.memory_space<vmem>>, vector<1x512xf32>,
    return
  }
  func.func @transform_0(%arg0: i32) -> (i32, i32) {
    %c0_i32 = arith.constant 0 : i32
    %c0_i32_0 = arith.constant 0 : i32
    return %c0_i32, %arg0 : i32, i32
  }
  func.func @transform_1(%arg0: i32) -> (i32, i32) {
    %c0_i32 = arith.constant 0 : i32
    %c0_i32_0 = arith.constant 0 : i32
    %c0_i32_1 = arith.constant 0 : i32
    return %c0_i32, %c0_i32_0 : i32, i32
  }
  func.func @transform_2(%arg0: i32) -> (i32, i32) {
    %c0_i32 = arith.constant 0 : i32
    %c0_i32_0 = arith.constant 0 : i32
    %c0_i32_1 = arith.constant 0 : i32
    return %c0_i32, %c0_i32_0 : i32, i32
  }
  func.func @transform_3(%arg0: i32) -> (i32, i32) {
    %c0_i32 = arith.constant 0 : i32
    %c0_i32_0 = arith.constant 0 : i32
    %c0_i32_1 = arith.constant 0 : i32
    return %c0_i32, %c0_i32_0 : i32, i32
  }
  func.func @transform_4(%arg0: i32) -> (i32, i32) {
    %c0_i32 = arith.constant 0 : i32
    %c0_i32_0 = arith.constant 0 : i32
    %c0_i32_1 = arith.constant 0 : i32
    return %c0_i32, %c0_i32_0 : i32, i32
  }
  func.func @transform_5(%arg0: i32) -> (i32, i32) {
    %c0_i32 = arith.constant 0 : i32
    %c0_i32_0 = arith.constant 0 : i32
    %c0_i32_1 = arith.constant 0 : i32
    return %c0_i32, %c0_i32_0 : i32, i32
  }
  func.func @transform_6(%arg0: i32) -> (i32, i32) {
    %c0_i32 = arith.constant 0 : i32
    %c0_i32_0 = arith.constant 0 : i32
    %c0_i32_1 = arith.constant 0 : i32
    return %c0_i32, %c0_i32_0 : i32, i32
  }
  func.func @transform_7(%arg0: i32) -> (i32, i32) {
    %c0_i32 = arith.constant 0 : i32
    %c0_i32_0 = arith.constant 0 : i32
    %c0_i32_1 = arith.constant 0 : i32
    return %c0_i32, %c0_i32_0 : i32, i32
  }
  func.func @transform_8(%arg0: i32) -> (i32, i32) {
    %c0_i32 = arith.constant 0 : i32
    %c0_i32_0 = arith.constant 0 : i32
    return %c0_i32, %arg0 : i32, i32
  }
}

</mosaic_0001>

<sc_bundles>
// kernel: kernel.4.cloned.1.call-start
scs
__scs_entry_jumppad:
0x0: {  	(pc) =	sbr.rel $0x88, $3  }
0x1: {  	(tag) =	ssettag $0x0;
	lr =	simm.s32 $0x1  }
0x2: {  	[smem:$0x3F97] =	sst lr;
	_ =	strace $0xD0000000  }
0x3: {  	_ = 	snop  }
0x4: {  	_ = 	snop  }
0x5: {  	_ = 	snop  }
0x6: {  	_ = 	snop  }
0x7: {  	_ = 	snop  }
__scs_overlays_trampoline_lowered:
0x8: {  	[smem:$0x3FA6] =	sst s0  }
0x9: {  	[smem:$0x3FA7] =	sst s1  }
0xa: {  	[smem:$0x3FA8] =	sst s2  }
0xb: {  	[smem:$0x3FA9] =	sst s3  }
0xc: {  	[smem:$0x3FAA] =	sst s4  }
0xd: {  	[smem:$0x3FAB] =	sst s5  }
0xe: {  	[smem:$0x3FAC] =	sst s6  }
0xf: {  	[smem:$0x3FAD] =	sst s7  }
0x10: {  	[smem:$0x3FAE] =	sst s8  }
0x11: {  	[smem:$0x3FAF] =	sst s9;
	s0 =	simm.s32 @!p0 $0x0  }
0x12: {  	s1 =	sld [smem:$0x3F95];
	s0 =	simm.s32 @p0 $0x1  }
0x13: {  	[smem:$0x3FB0] =	sst s0;
	s0 =	simm.s32 @!p1 $0x0  }
0x14: {  	s2 =	sld [smem:$0x3F94];
	s0 =	simm.s32 @p1 $0x1  }
0x15: {  	[smem:$0x3FB1] =	sst s0;
	s0 =	simm.s32 @!p2 $0x0  }
0x16: {  	s3 =	sld [smem:$0x3FDB];
	s0 =	simm.s32 @p2 $0x1  }
0x17: {  	s4 =	simm.s32 $0x1BF5;
	[smem:$0x3FB3] =	sst s0  }
0x18: {  	s0 =	sld [smem:$0x3F96];
	_ =	swait.ge [sflag:s4], $0x0  }
0x19: {  	s7 =	sld [smem:$0x3F97]  }
0x1a: {  	s8 =	sadd.s32 $0xFFFFE003, lr  }
0x1b: {  	s9 =	sadd.s32 $0xFFFFFEF7, lr;
	s5 =	simm.s32 $0xFFFFFFFF;
	p2 =	slt.u32 s8, $0xFFFFF086  }
0x1c: {  	p1 =	slt.u32 s9, $0xF7A;
	s5 =	simm.s32 @!p2 $0x0  }
0x1d: {  	s5 =	simm.s32 @p1 $0x1;
	p0 =	seq.s32 s7, s2  }
0x1e: {  	s7 =	smul.u32 @!p0 $0xF7A, s2;
	p2 =	seq.s32 @!p0 s5, $0x0  }
0x1f: {  	s9 =	smul.u32 $0xF7A, s1;
	s8 =	simm.s32 @!p0 $0x1BF5;
	p2 =	por !p2, p0  }
0x20: {  	[sflag:s8] =	ssyncset.s32 @!p0 $0xFFFFF086;
	s6 =	sadd.s32 @!p0 s3, s7;
	s7 =	simm.s32 @!p0 $0x108  }
0x21: {  	s3 =	sadd.s32 s3, s9;
	s6 =	sadd.s32 @!p0 $0x88, s6;
	s7 =	simm.s32 @p2 $0x1082  }
0x22: {  	[simem:s7], [sflag:s8] =	dma.local @!p0 [hbm:s6], $0xF7A  }
0x23: {  	s9 =	sor.u32 $0xD0000000, s2;
	s6 =	simm.s32 $0x108;
	_ =	swait.ge @!p0 [sflag:s8], $0x0  }
0x24: {  	s3 =	sadd.s32 $0x88, s3;
	s6 =	simm.s32 @!p1 $0x1082;
	[sflag:s4] =	ssyncset.s32 $0xFFFFF086  }
0x25: {  	[simem:s6], [sflag:s4] =	dma.local [hbm:s3], $0xF7A  }
0x26: {  	[smem:$0x3F97] =	sst s1;
	(tag) =	ssettag s2;
	_ =	strace s9  }
0x27: {  	s1 =	sld [smem:$0x3FA7]  }
0x28: {  	s2 =	sld [smem:$0x3FA8]  }
0x29: {  	s4 =	sld [smem:$0x3FAA]  }
0x2a: {  	p0 =	seq.s32 s5, $0x0;
	s5 =	sld [smem:$0x3FAB]  }
0x2b: {  	s6 =	sld [smem:$0x3FAC]  }
0x2c: {  	s7 =	sld [smem:$0x3FAD]  }
0x2d: {  	s3 =	simm.s32 $0x108;
	s8 =	sld [smem:$0x3FAE]  }
0x2e: {  	s3 =	simm.s32 @!p0 $0x1082;
	s9 =	sld [smem:$0x3FAF]  }
0x2f: {  	lr =	sadd.s32 s0, s3;
	s0 =	sld [smem:$0x3FA6]  }
0x30: {  	s3 =	sld [smem:$0x3FA9]  }
0x31: {  	[smem:$0x3FB2] =	sst s10  }
0x32: {  	s10 =	sld [smem:$0x3FB0];
	_ =	sdelay $0x3  }
0x33: {  	p0 =	seq.s32 s10, $0x1;
	s10 =	sld [smem:$0x3FB2];
	_ =	sdelay $0x3  }
0x34: {  	[smem:$0x3FB2] =	sst s10  }
0x35: {  	s10 =	sld [smem:$0x3FB1];
	_ =	sdelay $0x3  }
0x36: {  	p1 =	seq.s32 s10, $0x1;
	s10 =	sld [smem:$0x3FB2];
	_ =	sdelay $0x3  }
0x37: {  	[smem:$0x3FB2] =	sst s10  }
0x38: {  	s10 =	sld [smem:$0x3FB3]  }
0x39: {  	_ = 	snop;
	(pc) =	sbr.ind lr, $3  }
0x3a: {  	_ = 	snop  }
0x3b: {  	_ = 	snop  }
0x3c: {  	p2 =	seq.s32 s10, $0x1;
	s10 =	sld [smem:$0x3FB2]  }
0x3d: {  	_ =	shalt  }
0x3e: {  	_ =	shalt  }
0x3f: {  	_ =	shalt  }
0x40: {  	_ =	shalt  }
0x41: {  	_ =	shalt  }
0x42: {  	_ =	shalt  }
0x43: {  	_ =	shalt  }
0x44: {  	_ =	shalt  }
0x45: {  	_ =	shalt  }
0x46: {  	_ =	shalt  }
0x47: {  	_ =	shalt  }
0x48: {  	_ =	shalt  }
0x49: {  	_ =	shalt  }
0x4a: {  	_ =	shalt  }
0x4b: {  	_ =	shalt  }
0x4c: {  	_ =	shalt  }
0x4d: {  	_ =	shalt  }
0x4e: {  	_ =	shalt  }
0x4f: {  	_ =	shalt  }
0x50: {  	_ =	shalt  }
0x51: {  	_ =	shalt  }
0x52: {  	_ =	shalt  }
0x53: {  	_ =	shalt  }
0x54: {  	_ =	shalt  }
0x55: {  	_ =	shalt  }
0x56: {  	_ =	shalt  }
0x57: {  	_ =	shalt  }
0x58: {  	_ =	shalt  }
0x59: {  	_ =	shalt  }
0x5a: {  	_ =	shalt  }
0x5b: {  	_ =	shalt  }
0x5c: {  	_ =	shalt  }
0x5d: {  	_ =	shalt  }
0x5e: {  	_ =	shalt  }
0x5f: {  	_ =	shalt  }
0x60: {  	_ =	shalt  }
0x61: {  	_ =	shalt  }
0x62: {  	_ =	shalt  }
0x63: {  	_ =	shalt  }
0x64: {  	_ =	shalt  }
0x65: {  	_ =	shalt  }
0x66: {  	_ =	shalt  }
0x67: {  	_ =	shalt  }
0x68: {  	_ =	shalt  }
0x69: {  	_ =	shalt  }
0x6a: {  	_ =	shalt  }
0x6b: {  	_ =	shalt  }
0x6c: {  	_ =	shalt  }
0x6d: {  	_ =	shalt  }
0x6e: {  	_ =	shalt  }
0x6f: {  	_ =	shalt  }
0x70: {  	_ =	shalt  }
0x71: {  	_ =	shalt  }
0x72: {  	_ =	shalt  }
0x73: {  	_ =	shalt  }
0x74: {  	_ =	shalt  }
0x75: {  	_ =	shalt  }
0x76: {  	_ =	shalt  }
0x77: {  	_ =	shalt  }
0x78: {  	_ =	shalt  }
0x79: {  	_ =	shalt  }
0x7a: {  	_ =	shalt  }
0x7b: {  	_ =	shalt  }
0x7c: {  	_ =	shalt  }
0x7d: {  	_ =	shalt  }
0x7e: {  	_ =	shalt  }
0x7f: {  	_ =	shalt  }
0x80: {  	_ =	shalt  }
0x81: {  	_ =	shalt  }
0x82: {  	_ =	shalt  }
0x83: {  	_ =	shalt  }
0x84: {  	_ =	shalt  }
0x85: {  	_ =	shalt  }
0x86: {  	_ =	shalt  }
0x87: {  	_ =	shalt  }
.Lfunc_end0:
.L_simem_size_0:
called_computation_lowered:
.L_overlay_start_0:
0x88: {  	s2 =	sld [smem:$0x3FD9]  }
0x89: {  	s3 =	sld [smem:$0x3FFE];
	_ =	sdelay $0x1  }
0x8a: {  	s1 =	srdreg.scid  }
0x8b: {  	s0 =	sand.u32 $0x1, s1  }
0x8c: {  	s17 =	sshll.u32 s0, $0xA;
	s2 =	sadd.s32 s3, s2  }
0x8d: {  	s2 =	sadd.s32 s2, s17  }
0x8e: {  	[smem:$0x3FBE] =	sst s2  }
0x8f: {  	_ = 	snop  }
0x90: {  	s2 =	sld [smem:$0x3FC9]  }
0x91: {  	s18 =	sld [smem:$0x3FC8];
	(tm) =	ssettm $0x1  }
0x92: {  	s4 =	sld [smem:$0x3FFB];
	_ =	sdelay $0x3  }
0x93: {  	_ =	strace s4  }
0x94: {  	s4 =	sld [smem:$0x3FFC];
	_ =	sdelay $0x3  }
0x95: {  	_ =	strace s4  }
0x96: {  	s4 =	sld [smem:$0x3FFD];
	_ =	sdelay $0x3  }
0x97: {  	_ =	strace s4  }
0x98: {  	_ =	strace $0x8FFFFFFF  }
0x99: {  	s19 =	sld [smem:$0x3FDB];
	_ =	sdelay $0x1  }
0x9a: {  	s5 =	simm.s32 $_scs_section_size  }
0x9b: {  	s6 =	simm.s32 $_size__tile_overlayer_lowered;
	s7 =	simm.s32 $_tile_overlayer_lowered  }
0x9c: {  	s22 =	simm.s32 $0x1BFF;
	s21 =	sshll.u32 s7, $0x1;
	s4 =	sadd.s32 s5, s19  }
0x9d: {  	s8 =	simm.s32 $0x0;
	s20 =	sshll.u32 s6, $0x1;
	s6 =	sadd.s32 s21, s4  }
0x9e: {  	[timem:s8], [sflag:s22] =	dma.local [hbm:s6], s20  }
0x9f: {  	_ =	swait.ge [sflag:s22], s20  }
0xa0: {  	s5 =	ssub.s32 $0x0, s20;
	[sflag:s22] =	ssyncset.done $0x0  }
0xa1: {  	[sflag:s22] =	ssyncadd.s32 s5;
	_ =	sdelay $0x1  }
0xa2: {  	s23 =	simm.s32 $0x1B8B  }
0xa3: {  	_ =	swait.ge [sflag:s23], $0x1  }
0xa4: {  	[sflag:s23] =	ssyncset.done $0x0  }
0xa5: {  	s25 =	simm.s32 $0x1B8E;
	s24 =	sld [smem:$0x3FFE];
	[sflag:s23] =	ssyncadd.s32 $0xFFFFFFFF  }
0xa6: {  	s26 =	simm.s32 $execute0_lowered;
	[smem:$0x3FD2] =	sst s25  }
0xa7: {  	s6 =	sshll.u32 s26, $0x1;
	_ =	strace $0x80000046;
	[dreg:$0x1] =	wrdreg $0xFFFFFFFF  }
0xa8: {  	s28 =	simm.s32 $_size_execute0_lowered;
	s4 =	sadd.s32 s4, s6;
	[dreg:$0x0] =	wrdreg $0x0  }
0xa9: {  	s6 =	sshll.u32 s28, $0x1;
	[dreg:$0x2] =	wrdreg s4  }
0xaa: {  	[dreg:$0x3] =	wrdreg s6  }
0xab: {  	[dreg:$0x4] =	wrdreg $0xC0  }
0xac: {  	_ =	task [dreg:s8], $0x5FFFF  }
0xad: {  	[dreg:$0x1] =	wrdreg $0xFFFFFFFF  }
0xae: {  	[dreg:$0x0] =	wrdreg $0x60  }
0xaf: {  	[dreg:$0x2] =	wrdreg s18  }
0xb0: {  	[dreg:$0x3] =	wrdreg s2  }
0xb1: {  	[dreg:$0x4] =	wrdreg s24  }
0xb2: {  	[dreg:$0x5] =	wrdreg $0x9  }
0xb3: {  	_ =	task.clear_ibuf [dreg:s8], $0x6FFFF;
	_ =	strace $0x90000046  }
0xb4: {  	s29 =	simm.s32 $0x9;
	_ =	strace $0x80000048  }
0xb5: {  	_ =	swait.ge [sflag:s29], $0x1  }
0xb6: {  	[sflag:s29] =	ssyncadd.s32 $0xFFFFFFFF  }
0xb7: {  	_ =	strace $0x90000048  }
0xb8: {  	_ =	sfence  }
0xb9: {  	s30 =	sld [smem:$0x0];
	_ =	sdelay $0x2  }
0xba: {  	s31 =	sshll.u32 s1, $0xD;
	s1 =	sshrl.u32 s1, $0x2  }
0xbb: {  	s3 =	sand.u32 $0x4000, s31;
	s1 =	sadd.s32 s1, s30  }
0xbc: {  	s0 =	sor.u32 s3, s0;
	s1 =	sshll.u32 s1, $0x11  }
0xbd: {  	s0 =	sor.u32 s1, s0  }
0xbe: {  	s0 =	sadd.s32 $0x8F2B, s0  }
0xbf: {  	[sflag:s0] =	ssyncadd.remote.s32 $0x1  }
0xc0: {  	_ =	sfence.sel $0xFFFF  }
0xc1: {  	[dreg:$0x0] =	wrdreg $0xFFFFFFFF;
	(pc) =	sbr.abs _section_cstart, $3  }
0xc2: {  	[dreg:$0x1] =	wrdreg $0xFFFFFFFF  }
0xc3: {  	_ =	task.clear_ibuf [dreg:s8], $0x2FFFF;
	_ =	strace $0x9FFFFFFF  }
0xc4: {  	(tm) =	ssettm $0x7FFFFFFF  }
0xc5: {  	_ =	shalt  }
tec
execute0_lowered:
.L_overlay_start_1:
0x0: {  	(tag) =	ssettag $0x1  }
0x1: {  	s1 =	rddreg [dreg:$0x0]  }
0x2: {  	s2 =	rddreg [dreg:$0x1]  }
0x3: {  	s5 =	rddreg [dreg:$0x2];
	s3 =	srdreg.scid  }
0x4: {  	s0 =	rddreg [dreg:$0x3];
	s4 =	simm.s32 $0x0;
	s10 =	simm.s32 $0x2  }
0x5: {  	s11 =	simm.s32 $0x1000;
	s12 =	simm.s32 $0x1;
	s13 =	simm.s32 $0x19700  }
0x6: {  	s14 =	simm.s32 $0x0;
	s6 =	sand.u32 $0x1, s3;
	[smem:$0x7FF] =	sst s4  }
0x7: {  	s3 =	stileid.u32;
	s5 =	sadd.s32 $0x1000, s5;
	s7 =	ssub.s32 $0x2, s6  }
0x8: {  	_ =	strace $0x80000047;
	s9 =	sshll.u32 s3, $0x1;
	s8 =	sshrl.u32 s7, $0x1  }
0x9: {  	s6 =	sor.u32 s6, s9;
	s9 =	simm.s32 $0x400;
	s7 =	ssub.s32 s7, s8  }
0xa: {  	s6 =	smul.u32 $0x34, s6;
	s8 =	simm.s32 $0x80;
	s7 =	smax.u32 s7, $0x1  }
.LBB2_1:
0xb: {  	s15 =	simm.s32 $0x0  }
.LBB2_2:
0xc: {  	s16 =	sadd.s32 s6, s15  }
0xd: {  	p0 =	seq.s32 s15, $0x0;
	s17 =	sand.u32 $0x3F, s16  }
0xe: {  	p1 =	sne.s32 @!p0 s17, $0x0  }
0xf: {  	s18 =	sshrl.u32 s16, $0x6;
	p0 =	por p0, !p1  }
0x10: {  	s19 =	sshll.u32 @p0 s18, $0x4  }
0x11: {  	s20 =	sshll.u32 @p0 s18, $0x9;
	s19 =	sand.u32 @p0 $0x70, s19  }
0x12: {  	s20 =	sand.u32 @p0 $0xFFFF000, s20;
	s19 =	sadd.s32 @p0 s2, s19  }
0x13: {  	s31 =	sshrl.u32 s17, $0x3;
	s19 =	sadd.s32 @p0 s20, s19  }
0x14: {  	[tilespmem:s4], [sflag:$0x2] =	stream.strided.gather @p0 [hbm4b:s19+s8], $0x1000, s9, s8, $0x38;
	[tilespmem:$0x1A700] =	vst v63  }
0x15: {  	s17 =	sshll.u32 s17, $0x7;
	s19 =	smul.u32 $0xC3800, s31  }
0x16: {  	s17 =	sand.u32 $0x380, s17;
	s18 =	smul.u32 $0xC3800, s18  }
0x17: {  	_ =	swait.ge @p0 [sflag:s10], $0x1000;
	s17 =	sor.u32 s17, s19  }
0x18: {  	s18 =	sadd.s32 s1, s18;
	[sflag:s10] =	ssyncset.done @p0 $0x0;
	s17 =	sshrl.u32 s17, $0x3  }
0x19: {  	[sflag:s10] =	ssyncadd.s32 @p0 $0xFFFFF000;
	s17 =	sadd.s32 s17, s18  }
0x1a: {  	[tilespmem:s11], [sflag:$0x1] =	stream.strided.gather [hbm4b:s17+s8], $0x18700, s9, s8, $0x38;
	[tilespmem:$0x1A700] =	vst v63  }
0x1b: {  	_ =	swait.ge [sflag:s12], $0x18700  }
0x1c: {  	[sflag:s12] =	ssyncset.done $0x0  }
0x1d: {  	s17 =	simm.s32 $0x0;
	[sflag:s12] =	ssyncadd.s32 $0xFFFE7900  }
0x1e: {  	v0 =	vld [tilespmem:s17+$0x0];
	_ =	sdelay $0x5  }
0x1f: {  	v1 =	vld [tilespmem:s17+$0x10];
	_ =	sdelay $0x1  }
0x20: {  	v0 =	vld.idx.msk [tilespmem:v0+s11+$0x0], $0xffff;
	_ =	sdelay $0x4  }
0x21: {  	[tilespmem:s17+$0x19700] =	vst v0;
	v0 =	vld [tilespmem:s17+$0x20]  }
0x22: {  	v1 =	vld.idx.msk [tilespmem:v1+s11+$0x0], $0xffff;
	_ =	sdelay $0x4  }
0x23: {  	[tilespmem:s17+$0x19710] =	vst v1;
	v1 =	vld [tilespmem:s17+$0x30];
	_ =	sdelay $0x1  }
0x24: {  	v0 =	vld.idx.msk [tilespmem:v0+s11+$0x0], $0xffff;
	_ =	sdelay $0x4  }
0x25: {  	[tilespmem:s17+$0x19720] =	vst v0;
	v0 =	vld [tilespmem:s17+$0x40]  }
0x26: {  	v1 =	vld.idx.msk [tilespmem:v1+s11+$0x0], $0xffff;
	_ =	sdelay $0x4  }
0x27: {  	[tilespmem:s17+$0x19730] =	vst v1;
	v1 =	vld [tilespmem:s17+$0x50];
	_ =	sdelay $0x1  }
0x28: {  	v0 =	vld.idx.msk [tilespmem:v0+s11+$0x0], $0xffff;
	_ =	sdelay $0x4  }
0x29: {  	v2 =	vld [tilespmem:s17+$0x60];
	[tilespmem:s17+$0x19740] =	vst v0  }
0x2a: {  	v0 =	vld.idx.msk [tilespmem:v1+s11+$0x0], $0xffff;
	_ =	sdelay $0x4  }
0x2b: {  	[tilespmem:s17+$0x19750] =	vst v0;
	v0 =	vld [tilespmem:s17+$0x70];
	_ =	sdelay $0x1  }
0x2c: {  	v1 =	vld.idx.msk [tilespmem:v2+s11+$0x0], $0xffff;
	_ =	sdelay $0x3  }
0x2d: {  	s19 =	simm.s32 $0x80;
	s18 =	simm.s32 $0x400  }
.LBB2_3:
0x2e: {  	p0 =	sne.s32 s18, $0x3E00;
	v2 =	vld [tilespmem:s19+$0x0];
	[tilespmem:s17+$0x19760] =	vst v1  }
0x2f: {  	v0 =	vld.idx.msk [tilespmem:v0+s11+$0x0], $0xffff;
	_ =	sdelay $0x5  }
0x30: {  	v1 =	vld [tilespmem:s19+$0x10];
	[tilespmem:s17+$0x19770] =	vst v0;
	s17 =	smov.u32 s19  }
0x31: {  	v0 =	vld.idx.msk [tilespmem:v2+s11+$0x0], $0xffff;
	_ =	sdelay $0x5  }
0x32: {  	[tilespmem:s17+$0x19700] =	vst v0;
	v0 =	vld [tilespmem:s17+$0x20]  }
0x33: {  	v1 =	vld.idx.msk [tilespmem:v1+s11+$0x0], $0xffff;
	_ =	sdelay $0x5  }
0x34: {  	[tilespmem:s17+$0x19710] =	vst v1;
	v1 =	vld [tilespmem:s17+$0x30]  }
0x35: {  	v0 =	vld.idx.msk [tilespmem:v0+s11+$0x0], $0xffff;
	_ =	sdelay $0x5  }
0x36: {  	[tilespmem:s17+$0x19720] =	vst v0;
	v0 =	vld [tilespmem:s17+$0x40]  }
0x37: {  	v1 =	vld.idx.msk [tilespmem:v1+s11+$0x0], $0xffff;
	_ =	sdelay $0x5  }
0x38: {  	[tilespmem:s17+$0x19730] =	vst v1;
	v1 =	vld [tilespmem:s17+$0x50]  }
0x39: {  	v0 =	vld.idx.msk [tilespmem:v0+s11+$0x0], $0xffff;
	_ =	sdelay $0x5  }
0x3a: {  	[tilespmem:s17+$0x19740] =	vst v0;
	v2 =	vld [tilespmem:s17+$0x60]  }
0x3b: {  	v0 =	vld.idx.msk [tilespmem:v1+s11+$0x0], $0xffff;
	_ =	sdelay $0x5  }
0x3c: {  	[tilespmem:s17+$0x19750] =	vst v0;
	v0 =	vld [tilespmem:s17+$0x70]  }
0x3d: {  	v1 =	vld.idx.msk [tilespmem:v2+s11+$0x0], $0xffff  }
.Ltmp0:
0x3e: {  	(pc) =	sbr.rel @p0 .LBB2_3-.Ltmp0, $2  }
0x3f: {  	_ =	sdelay $0x2  }
0x40: {  	s19 =	sshra.s32 s18, $0x2;
	s18 =	sadd.s32 $0x200, s18  }
0x41: {  	_ =	sdelay $0x1  }
0x42: {  	v2 =	vld [tilespmem:s19+$0x0]  }
0x43: {  	[tilespmem:s17+$0x19760] =	vst v1  }
0x44: {  	v0 =	vld.idx.msk [tilespmem:v0+s11+$0x0], $0xffff;
	_ =	sdelay $0x3  }
0x45: {  	v1 =	vld [tilespmem:s19+$0x10]  }
0x46: {  	[tilespmem:s17+$0x19770] =	vst v0  }
0x47: {  	v0 =	vld.idx.msk [tilespmem:v2+s11+$0x0], $0xffff;
	_ =	sdelay $0x3  }
0x48: {  	v58 =	vld [tilespmem:s19+$0x20]  }
0x49: {  	[tilespmem:s19+$0x19700] =	vst v0  }
0x4a: {  	v1 =	vld.idx.msk [tilespmem:v1+s11+$0x0], $0xffff;
	_ =	sdelay $0x3  }
0x4b: {  	v59 =	vld [tilespmem:s19+$0x30]  }
0x4c: {  	[tilespmem:s19+$0x19710] =	vst v1  }
0x4d: {  	v0 =	vld.idx.msk [tilespmem:v58+s11+$0x0], $0xffff;
	_ =	sdelay $0x3  }
0x4e: {  	v60 =	vld [tilespmem:s19+$0x40]  }
0x4f: {  	[tilespmem:s19+$0x19720] =	vst v0  }
0x50: {  	v1 =	vld.idx.msk [tilespmem:v59+s11+$0x0], $0xffff;
	_ =	sdelay $0x3  }
0x51: {  	v61 =	vld [tilespmem:s19+$0x50]  }
0x52: {  	[tilespmem:s19+$0x19730] =	vst v1  }
0x53: {  	v0 =	vld.idx.msk [tilespmem:v60+s11+$0x0], $0xffff;
	_ =	sdelay $0x3  }
0x54: {  	v62 =	vld [tilespmem:s19+$0x60]  }
0x55: {  	[tilespmem:s19+$0x19740] =	vst v0  }
0x56: {  	v1 =	vld.idx.msk [tilespmem:v61+s11+$0x0], $0xffff;
	_ =	sdelay $0x3  }
0x57: {  	v63 =	vld [tilespmem:s19+$0x70]  }
0x58: {  	[tilespmem:s19+$0x19750] =	vst v1  }
0x59: {  	v0 =	vld.idx.msk [tilespmem:v62+s11+$0x0], $0xffff;
	_ =	sdelay $0x4  }
0x5a: {  	[tilespmem:s19+$0x19760] =	vst v0  }
0x5b: {  	v0 =	vld.idx.msk [tilespmem:v63+s11+$0x0], $0xffff;
	_ =	sdelay $0x1  }
0x5c: {  	s30 =	sshll.u32 s16, $0x4  }
0x5d: {  	s31 =	sshll.u32 s16, $0x9;
	s15 =	sadd.s32 $0x1, s15;
	s17 =	sand.u32 $0x70, s30  }
0x5e: {  	s16 =	sand.u32 $0xFFFF000, s31;
	p0 =	sne.s32 s15, $0x34;
	s17 =	sadd.s32 s5, s17  }
.Ltmp1:
0x5f: {  	s16 =	sadd.s32 s16, s17;
	[tilespmem:s19+$0x19770] =	vst v0;
	(pc) =	sbr.rel @p0 .LBB2_2-.Ltmp1, $4  }
0x60: {  	[hbm4b:s16+s8] =	stream.strided.scatter [tilespmem:s13], [sflag:$0x2], $0x1000, s9, s8, $0x38;
	[tilespmem:$0x1A700] =	vst v63  }
0x61: {  	_ =	swait.ge [sflag:s10], $0x1000  }
0x62: {  	[sflag:s10] =	ssyncset.done $0x0  }
0x63: {  	[sflag:s10] =	ssyncadd.s32 $0xFFFFF000  }
0x64: {  	s14 =	sadd.s32 $0x1, s14  }
0x65: {  	p0 =	sne.s32 s14, s7  }
.Ltmp2:
0x66: {  	_ = 	snop;
	(pc) =	sbr.rel @p0 .LBB2_1-.Ltmp2, $1  }
0x67: {  	_ =	sdelay $0x3  }
0x68: {  	_ =	sfence.sel $0x180000  }
0x69: {  	[bflag:$0x0] =	sbarrier.arrive $0xFFFF  }
0x6a: {  	p0 =	sne.s32 s3, $0x0;
	_ =	strace $0x90000047  }
0x6b: {  	s0 =	sadd.s32 @!p0 $0x100000, s0;
	[bflag:$0x2] =	sbarrier.arrive $0xFFFF  }
0x6c: {  	[sflag:s0] =	ssyncadd.tile.s32 @!p0 $0x1;
	_ =	shalt  }
.Lfunc_end2:
_tile_overlayer_lowered:
.L_overlay_start_2:
0x6d: {  	(tag) =	ssettag $0x2  }
0x6e: {  	s0 =	rddreg [dreg:$0x0];
	s2 =	stileid.u32  }
0x6f: {  	s1 =	rddreg [dreg:$0x1];
	p0 =	sne.s32 s2, $0x0  }
0x70: {  	s3 =	rddreg [dreg:$0x2];
	[bflag:$0x3] =	sbarrier.arrive $0xFFFF;
	s2 =	simm.s32 @!p0 $0x1C02  }
0x71: {  	[timem:s3], [sflag:s2] =	dma.local @!p0 [hbm:s0], s1  }
0x72: {  	s0 =	simm.s32 @!p0 $0x2  }
0x73: {  	_ =	swait.ge @!p0 [sflag:s0], s1  }
0x74: {  	s1 =	ssub.s32 @!p0 $0x0, s1;
	[sflag:s0] =	ssyncset.done @!p0 $0x0  }
0x75: {  	[sflag:s0] =	ssyncadd.s32 @!p0 s1  }
0x76: {  	[bflag:$0x3] =	sbarrier.arrive $0xFFFF  }
0x77: {  	_ =	shalt  }

</sc_bundles>
